<compile_context>
chip_gen: v7x
topology: tpu7x:2x2x1
jax: 0.10.2.dev20260603
libtpu: 0.0.44.dev20260713+nightly
codegen_flags: <defaults>
</compile_context>

<pallas_src>
import functools

import jax
import jax.numpy as jnp
from jax import lax
from jax.experimental import pallas as pl
from jax.experimental.pallas import tpu as pltpu
from jax.experimental.pallas import tpu_sc as plsc

_NC = 2
_NS = 16


def _sc_month_gather(months_hbm, mt_hbm, me_hbm, midx_v, mrows_v, gsem):
    b = months_hbm.shape[0]
    wid = lax.axis_index("s") * _NC + lax.axis_index("c")

    @pl.when(wid < b)
    def _gather():
        pltpu.sync_copy(months_hbm.at[wid], midx_v)
        pltpu.async_copy(mt_hbm.at[midx_v], mrows_v, gsem).wait()
        pltpu.sync_copy(mrows_v, me_hbm.at[wid])


def _month_rows(months, month_table):
    b, t = months.shape
    n = month_table.shape[-1]
    runner = functools.partial(
        pl.kernel,
        out_type=jax.ShapeDtypeStruct((b, t, n), jnp.float32),
        mesh=plsc.VectorSubcoreMesh(
            core_axis_name="c", subcore_axis_name="s",
            num_cores=_NC, num_subcores=_NS),
        scratch_types=[
            pltpu.VMEM((t,), jnp.int32),
            pltpu.VMEM((t, n), jnp.float32),
            pltpu.SemaphoreType.DMA,
        ],
    )(_sc_month_gather)
    return runner(months, month_table)


def _tc_add_kernel(x_ref, ce_ref, pe_ref, me_ref, o_ref):
    t = pe_ref.shape[0]
    n = ce_ref.shape[-1]
    x = x_ref[...]
    ce = ce_ref[...]
    pe = pe_ref[...]
    me = me_ref[0]
    o_ref[..., 0:n] = x[..., 0:n] + ce[None, None, None, :, :]
    o_ref[..., n:2 * n] = x[..., n:2 * n] + pe[None, None, :, None, :]
    o_ref[..., 2 * n:3 * n] = x[..., 2 * n:3 * n] + me[None, None, :, None, :]
    o_ref[..., 3 * n:] = x[..., 3 * n:]


def kernel(sensor_tokens, timestamps, channel_embed, pos_embed, month_table):
    b, h, w, t, b_s, d = sensor_tokens.shape
    n = d // 4
    hw = h * w
    br = 32
    x = sensor_tokens.reshape(b, hw, t, b_s, d)
    months = timestamps[:, :, 1].astype(jnp.int32)

    me = _month_rows(months, month_table)

    out = pl.pallas_call(
        _tc_add_kernel,
        grid=(b, hw // br),
        in_specs=[
            pl.BlockSpec((1, br, t, b_s, d), lambda i, j: (i, j, 0, 0, 0)),
            pl.BlockSpec((b_s, n), lambda i, j: (0, 0)),
            pl.BlockSpec((t, n), lambda i, j: (0, 0)),
            pl.BlockSpec((1, t, n), lambda i, j: (i, 0, 0)),
        ],
        out_specs=pl.BlockSpec((1, br, t, b_s, d), lambda i, j: (i, j, 0, 0, 0)),
        out_shape=jax.ShapeDtypeStruct(x.shape, x.dtype),
        compiler_params=pltpu.CompilerParams(
            dimension_semantics=("arbitrary", "arbitrary"),
        ),
    )(x, channel_embed, pos_embed[:t], me)
    return out.reshape(b, h, w, t, b_s, d)

# --- scband reference (transcript-rebuilt; emitter-appended) ---
"""Pipeline reference for scband-vision-encoder-79224966742668 (READ-ONLY COPY).

The authoritative reference and input builder live on the scoring server;
editing this copy changes nothing except your own understanding.
"""

import jax, jax.numpy as jnp
import numpy as np

EMBED_DIM = 1024
N_PER_TYPE = EMBED_DIM // 4  # 256, embedding_dim_per_embedding_type
MAX_SEQ = 2048
NUM_BANDSETS = 4


def sinusoidal_1d(positions, dim):
    # standard transformer sinusoidal encoding
    half = dim // 2
    freqs = jnp.exp(-jnp.log(10000.0) * jnp.arange(half, dtype=jnp.float32) / half)
    args = positions.astype(jnp.float32)[:, None] * freqs[None, :]
    return jnp.concatenate([jnp.sin(args), jnp.cos(args)], axis=-1)


def cyclic_month_table(dim):
    # cyclic encoding of 12 months
    months = jnp.arange(12, dtype=jnp.float32)
    angle = 2.0 * jnp.pi * months / 12.0
    half = dim // 2
    k = jnp.arange(1, half + 1, dtype=jnp.float32)
    args = angle[:, None] * k[None, :]
    return jnp.concatenate([jnp.sin(args), jnp.cos(args)], axis=-1)


def setup_inputs(seed: int = 0) -> dict:
    key = jax.random.key(seed)
    k1, k2, k3 = jax.random.split(key, 3)
    b, h, w, t, b_s, d = 2, 16, 16, 8, NUM_BANDSETS, EMBED_DIM
    sensor_tokens = jax.random.normal(k1, (b, h, w, t, b_s, d), dtype=jnp.float32)
    # timestamps: [..., 1] is the month index in [0, 12)
    timestamps = jax.random.randint(k2, (b, t, 3), 0, 12, dtype=jnp.int64)
    channel_embed = jax.random.uniform(k3, (NUM_BANDSETS, N_PER_TYPE), dtype=jnp.float32)  # random_channel_embed=True
    pos_embed = sinusoidal_1d(jnp.arange(MAX_SEQ), N_PER_TYPE).astype(jnp.float32)
    month_table = cyclic_month_table(N_PER_TYPE).astype(jnp.float32)
    return {
        "sensor_tokens": sensor_tokens,
        "timestamps": timestamps,
        "channel_embed": channel_embed,
        "pos_embed": pos_embed,
        "month_table": month_table,
    }


def reference(sensor_tokens, timestamps, channel_embed, pos_embed, month_table):
    # 6D token path: b h w t b_s d
    b, h, w, t, b_s, d = sensor_tokens.shape
    n = d // 4  # embedding_dim_per_embedding_type
    sensor_embed = jnp.zeros_like(sensor_tokens)

    # channel (bandset) embeddings -> first quarter
    ce = jnp.broadcast_to(channel_embed[None, None, None, None, :, :], (b, h, w, t, b_s, n))
    sensor_embed = sensor_embed.at[..., :n].add(ce)

    # sinusoidal time position embeddings -> second quarter
    te = pos_embed[:t]  # [t, n]
    te = jnp.broadcast_to(te[None, None, None, :, None, :], (b, h, w, t, b_s, n))
    sensor_embed = sensor_embed.at[..., n:2 * n].add(te)

    # month embedding lookup (nn.Embedding gather) -> third quarter
    months = timestamps[:, :, 1]  # [b, t]
    me = jnp.take(month_table, months, axis=0)  # [b, t, n]
    me = jnp.broadcast_to(me[:, None, None, :, None, :], (b, h, w, t, b_s, n))
    sensor_embed = sensor_embed.at[..., 2 * n:3 * n].add(me)

    return sensor_tokens + sensor_embed

if __name__ == "__main__":
    import jax
    _d = setup_inputs()
    print(jax.jit(kernel)(*tuple(_d.values())))

</pallas_src>

<mosaic_0001>
#map = affine_map<(d0, d1) -> (0, 0)>
#map1 = affine_map<(d0, d1) -> (0, 0, 0)>
module attributes {stable_mosaic.version = 14 : i64} {
  func.func @_sc_month_gather(%arg0: i32, %arg1: i32, %arg2: memref<2x8xi32, #tpu.memory_space<hbm>>, %arg3: memref<12x256xf32, #tpu.memory_space<hbm>>, %arg4: memref<2x8x256xf32, #tpu.memory_space<hbm>>, %arg5: memref<8xi32, #tpu.memory_space<vmem>>, %arg6: memref<8x256xf32, #tpu.memory_space<vmem>>, %arg7: memref<!tpu.dma_semaphore, #tpu.memory_space<semaphore_mem>>) attributes {dimension_semantics = [#tpu.dimension_semantics<core_parallel>, #tpu.dimension_semantics<subcore_parallel>], iteration_bounds = array<i64: 2, 16>, scalar_prefetch = 0 : i64, scratch_operands = 3 : i64, tpu.core_type = #tpu.core_type<sc_vector_subcore>, window_params = [{transform_indices = #map}, {transform_indices = #map}, {transform_indices = #map1}]} {
    %mul3A = arith.constant 2 : i32
    %mul3A_0 = arith.muli %arg1, %mul3A : i32
    %add3A = arith.addi %mul3A_0, %arg0 : i32
    %lt3A = arith.constant 2 : i32
    %lt3A_1 = arith.cmpi slt, %add3A, %lt3A : i32
    %convert_element_type3A = arith.extui %lt3A_1 : i1 to i32
    %cond3A = arith.constant 0 : i32
    %cond3A_2 = arith.cmpi ne, %convert_element_type3A, %cond3A : i32
    scf.if %cond3A_2 {
      "tpu.region"() ({
        %run_scoped3A = tpu.sem_alloc : memref<!tpu.dma_semaphore, #tpu.memory_space<semaphore_mem>>
        %dma_start3A_7 = arith.constant 0 : i32
        %dma_start3A_8 = tpu.memref_slice %arg2[%add3A, %dma_start3A_7] : memref<2x8xi32, #tpu.memory_space<hbm>> -> memref<1x8xi32, #tpu.memory_space<hbm>>
        %dma_start3A_9 = tpu.memref_squeeze %dma_start3A_8 : memref<1x8xi32, #tpu.memory_space<hbm>> -> memref<8xi32, #tpu.memory_space<hbm>>
        %dma_start3A_10 = arith.constant 0 : i32
        %dma_start3A_11 = tpu.memref_slice %arg2[%add3A, %dma_start3A_10] : memref<2x8xi32, #tpu.memory_space<hbm>> -> memref<1x8xi32, #tpu.memory_space<hbm>>
        %dma_start3A_12 = tpu.memref_squeeze %dma_start3A_11 : memref<1x8xi32, #tpu.memory_space<hbm>> -> memref<8xi32, #tpu.memory_space<hbm>>
        tpu.enqueue_dma source(%dma_start3A_12 : memref<8xi32, #tpu.memory_space<hbm>>) target(%arg5 : memref<8xi32, #tpu.memory_space<vmem>>) target_semaphore(%run_scoped3A : memref<!tpu.dma_semaphore, #tpu.memory_space<semaphore_mem>>)
        %dma_wait3A_13 = arith.constant 0 : i32
        %dma_wait3A_14 = tpu.memref_slice %arg2[%add3A, %dma_wait3A_13] : memref<2x8xi32, #tpu.memory_space<hbm>> -> memref<1x8xi32, #tpu.memory_space<hbm>>
        %dma_wait3A_15 = tpu.memref_squeeze %dma_wait3A_14 : memref<1x8xi32, #tpu.memory_space<hbm>> -> memref<8xi32, #tpu.memory_space<hbm>>
        %dma_wait3A_16 = arith.constant 0 : i32
        %dma_wait3A_17 = tpu.memref_slice %arg2[%add3A, %dma_wait3A_16] : memref<2x8xi32, #tpu.memory_space<hbm>> -> memref<1x8xi32, #tpu.memory_space<hbm>>
        %dma_wait3A_18 = tpu.memref_squeeze %dma_wait3A_17 : memref<1x8xi32, #tpu.memory_space<hbm>> -> memref<8xi32, #tpu.memory_space<hbm>>
        tpu.wait_dma2 semaphore(%run_scoped3A : memref<!tpu.dma_semaphore, #tpu.memory_space<semaphore_mem>>) src(%dma_wait3A_18 : memref<8xi32, #tpu.memory_space<hbm>>) dst(%arg5 : memref<8xi32, #tpu.memory_space<vmem>>)
        tpu.yield
      }) : () -> ()
      %dma_start3A = arith.constant 0 : i32
      %dma_start3A_3 = arith.constant 0 : i32
      %dma_start3A_4 = tpu.memref_slice %arg3[%dma_start3A, %dma_start3A_3] : memref<12x256xf32, #tpu.memory_space<hbm>> -> memref<12x256xf32, #tpu.memory_space<hbm>>
      tpu.enqueue_indirect_dma source(%dma_start3A_4 : memref<12x256xf32, #tpu.memory_space<hbm>>) target(%arg6 : memref<8x256xf32, #tpu.memory_space<vmem>>) offsets(%arg5 : memref<8xi32, #tpu.memory_space<vmem>>) semaphore(%arg7 : memref<!tpu.dma_semaphore, #tpu.memory_space<semaphore_mem>>)
      %dma_wait3A = arith.constant 0 : i32
      %dma_wait3A_5 = arith.constant 0 : i32
      %dma_wait3A_6 = tpu.memref_slice %arg3[%dma_wait3A, %dma_wait3A_5] : memref<12x256xf32, #tpu.memory_space<hbm>> -> memref<12x256xf32, #tpu.memory_space<hbm>>
      tpu.wait_indirect_dma semaphore(%arg7 : memref<!tpu.dma_semaphore, #tpu.memory_space<semaphore_mem>>) src(%dma_wait3A_6 : memref<12x256xf32, #tpu.memory_space<hbm>>) dst(%arg6 : memref<8x256xf32, #tpu.memory_space<vmem>>)
      "tpu.region"() ({
        %run_scoped3A = tpu.sem_alloc : memref<!tpu.dma_semaphore, #tpu.memory_space<semaphore_mem>>
        %dma_start3A_7 = arith.constant 0 : i32
        %dma_start3A_8 = arith.constant 0 : i32
        %dma_start3A_9 = tpu.memref_slice %arg4[%add3A, %dma_start3A_7, %dma_start3A_8] : memref<2x8x256xf32, #tpu.memory_space<hbm>> -> memref<1x8x256xf32, #tpu.memory_space<hbm>>
        %dma_start3A_10 = tpu.memref_squeeze %dma_start3A_9 : memref<1x8x256xf32, #tpu.memory_space<hbm>> -> memref<8x256xf32, #tpu.memory_space<hbm>>
        %dma_start3A_11 = arith.constant 0 : i32
        %dma_start3A_12 = arith.constant 0 : i32
        %dma_start3A_13 = tpu.memref_slice %arg4[%add3A, %dma_start3A_11, %dma_start3A_12] : memref<2x8x256xf32, #tpu.memory_space<hbm>> -> memref<1x8x256xf32, #tpu.memory_space<hbm>>
        %dma_start3A_14 = tpu.memref_squeeze %dma_start3A_13 : memref<1x8x256xf32, #tpu.memory_space<hbm>> -> memref<8x256xf32, #tpu.memory_space<hbm>>
        tpu.enqueue_dma source(%arg6 : memref<8x256xf32, #tpu.memory_space<vmem>>) target(%dma_start3A_14 : memref<8x256xf32, #tpu.memory_space<hbm>>) target_semaphore(%run_scoped3A : memref<!tpu.dma_semaphore, #tpu.memory_space<semaphore_mem>>)
        %dma_wait3A_15 = arith.constant 0 : i32
        %dma_wait3A_16 = arith.constant 0 : i32
        %dma_wait3A_17 = tpu.memref_slice %arg4[%add3A, %dma_wait3A_15, %dma_wait3A_16] : memref<2x8x256xf32, #tpu.memory_space<hbm>> -> memref<1x8x256xf32, #tpu.memory_space<hbm>>
        %dma_wait3A_18 = tpu.memref_squeeze %dma_wait3A_17 : memref<1x8x256xf32, #tpu.memory_space<hbm>> -> memref<8x256xf32, #tpu.memory_space<hbm>>
        %dma_wait3A_19 = arith.constant 0 : i32
        %dma_wait3A_20 = arith.constant 0 : i32
        %dma_wait3A_21 = tpu.memref_slice %arg4[%add3A, %dma_wait3A_19, %dma_wait3A_20] : memref<2x8x256xf32, #tpu.memory_space<hbm>> -> memref<1x8x256xf32, #tpu.memory_space<hbm>>
        %dma_wait3A_22 = tpu.memref_squeeze %dma_wait3A_21 : memref<1x8x256xf32, #tpu.memory_space<hbm>> -> memref<8x256xf32, #tpu.memory_space<hbm>>
        tpu.wait_dma2 semaphore(%run_scoped3A : memref<!tpu.dma_semaphore, #tpu.memory_space<semaphore_mem>>) src(%arg6 : memref<8x256xf32, #tpu.memory_space<vmem>>) dst(%dma_wait3A_22 : memref<8x256xf32, #tpu.memory_space<hbm>>)
        tpu.yield
      }) : () -> ()
    } else {
    }
    return
  }
}

module attributes {stable_mosaic.version = 14 : i64} {
  func.func @_tc_add_kernel(%arg0: i32, %arg1: i32, %arg2: memref<1x32x8x4x1024xf32, #tpu.memory_space<vmem>>, %arg3: memref<4x256xf32, #tpu.memory_space<vmem>>, %arg4: memref<8x256xf32, #tpu.memory_space<vmem>>, %arg5: memref<1x8x256xf32, #tpu.memory_space<vmem>>, %arg6: memref<1x32x8x4x1024xf32, #tpu.memory_space<vmem>>) attributes {dimension_semantics = [#tpu.dimension_semantics<arbitrary>, #tpu.dimension_semantics<arbitrary>], iteration_bounds = array<i64: 2, 8>, scalar_prefetch = 0 : i64, scratch_operands = 0 : i64, tpu.core_type = #tpu.core_type<tc>, window_params = [{transform_indices = @transform_0, window_bounds = array<i64: 1, 32, 8, 4, 1024>}, {pipeline_mode = #tpu.pipeline_mode<synchronous>, transform_indices = @transform_1, window_bounds = array<i64: 4, 256>}, {pipeline_mode = #tpu.pipeline_mode<synchronous>, transform_indices = @transform_2, window_bounds = array<i64: 8, 256>}, {transform_indices = @transform_3, window_bounds = array<i64: 1, 8, 256>}, {transform_indices = @transform_4, window_bounds = array<i64: 1, 32, 8, 4, 1024>}]} {
    %get3A = arith.constant 0 : index
    %get3A_0 = arith.constant 0 : index
    %get3A_1 = arith.constant 0 : index
    %get3A_2 = arith.constant 0 : index
    %get3A_3 = arith.constant 0 : index
    %get3A_4 = vector.load %arg2[%get3A, %get3A_0, %get3A_1, %get3A_2, %get3A_3] : memref<1x32x8x4x1024xf32, #tpu.memory_space<vmem>>, vector<1x32x8x4x1024xf32>
    %get3A_5 = arith.constant 0 : index
    %get3A_6 = arith.constant 0 : index
    %get3A_7 = vector.load %arg3[%get3A_5, %get3A_6] : memref<4x256xf32, #tpu.memory_space<vmem>>, vector<4x256xf32>
    %get3A_8 = arith.constant 0 : index
    %get3A_9 = arith.constant 0 : index
    %get3A_10 = vector.load %arg4[%get3A_8, %get3A_9] : memref<8x256xf32, #tpu.memory_space<vmem>>, vector<8x256xf32>
    %get3A_11 = arith.constant 0 : index
    %get3A_12 = arith.constant 0 : index
    %get3A_13 = arith.constant 0 : index
    %get3A_14 = vector.load %arg5[%get3A_11, %get3A_12, %get3A_13] : memref<1x8x256xf32, #tpu.memory_space<vmem>>, vector<1x8x256xf32>
    %get3A_15 = vector.shape_cast %get3A_14 : vector<1x8x256xf32> to vector<8x256xf32>
    %slice3A = vector.extract_strided_slice %get3A_4 {offsets = [0, 0, 0, 0, 0], sizes = [1, 32, 8, 4, 256], strides = [1, 1, 1, 1, 1]} : vector<1x32x8x4x1024xf32> to vector<1x32x8x4x256xf32>
    %broadcast_in_dim3A = vector.shape_cast %get3A_7 : vector<4x256xf32> to vector<1x1x1x4x256xf32>
    %add3A = vector.broadcast %broadcast_in_dim3A : vector<1x1x1x4x256xf32> to vector<1x32x8x4x256xf32>
    %add3A_16 = arith.addf %slice3A, %add3A : vector<1x32x8x4x256xf32>
    %swap3A = arith.constant 0 : index
    %swap3A_17 = arith.constant 0 : index
    %swap3A_18 = arith.constant 0 : index
    %swap3A_19 = arith.constant 0 : index
    %swap3A_20 = arith.constant 0 : index
    %swap3A_21 = vector.load %arg6[%swap3A, %swap3A_17, %swap3A_18, %swap3A_19, %swap3A_20] : memref<1x32x8x4x1024xf32, #tpu.memory_space<vmem>>, vector<1x32x8x4x256xf32>
    tpu.vector_store %arg6[%swap3A, %swap3A_17, %swap3A_18, %swap3A_19, %swap3A_20], %add3A_16 {strides = array<i32>} : memref<1x32x8x4x1024xf32, #tpu.memory_space<vmem>>, vector<1x32x8x4x256xf32>,
    %slice3A_22 = vector.extract_strided_slice %get3A_4 {offsets = [0, 0, 0, 0, 256], sizes = [1, 32, 8, 4, 256], strides = [1, 1, 1, 1, 1]} : vector<1x32x8x4x1024xf32> to vector<1x32x8x4x256xf32>
    %broadcast_in_dim3A_23 = vector.shape_cast %get3A_10 : vector<8x256xf32> to vector<1x1x8x1x256xf32>
    %add3A_24 = vector.broadcast %broadcast_in_dim3A_23 : vector<1x1x8x1x256xf32> to vector<1x32x8x4x256xf32>
    %add3A_25 = arith.addf %slice3A_22, %add3A_24 : vector<1x32x8x4x256xf32>
    %swap3A_26 = arith.constant 0 : index
    %swap3A_27 = arith.constant 0 : index
    %swap3A_28 = arith.constant 0 : index
    %swap3A_29 = arith.constant 0 : index
    %swap3A_30 = arith.constant 256 : index
    %swap3A_31 = vector.load %arg6[%swap3A_26, %swap3A_27, %swap3A_28, %swap3A_29, %swap3A_30] : memref<1x32x8x4x1024xf32, #tpu.memory_space<vmem>>, vector<1x32x8x4x256xf32>
    tpu.vector_store %arg6[%swap3A_26, %swap3A_27, %swap3A_28, %swap3A_29, %swap3A_30], %add3A_25 {strides = array<i32>} : memref<1x32x8x4x1024xf32, #tpu.memory_space<vmem>>, vector<1x32x8x4x256xf32>,
    %slice3A_32 = vector.extract_strided_slice %get3A_4 {offsets = [0, 0, 0, 0, 512], sizes = [1, 32, 8, 4, 256], strides = [1, 1, 1, 1, 1]} : vector<1x32x8x4x1024xf32> to vector<1x32x8x4x256xf32>
    %broadcast_in_dim3A_33 = vector.shape_cast %get3A_15 : vector<8x256xf32> to vector<1x1x8x1x256xf32>
    %add3A_34 = vector.broadcast %broadcast_in_dim3A_33 : vector<1x1x8x1x256xf32> to vector<1x32x8x4x256xf32>
    %add3A_35 = arith.addf %slice3A_32, %add3A_34 : vector<1x32x8x4x256xf32>
    %swap3A_36 = arith.constant 0 : index
    %swap3A_37 = arith.constant 0 : index
    %swap3A_38 = arith.constant 0 : index
    %swap3A_39 = arith.constant 0 : index
    %swap3A_40 = arith.constant 512 : index
    %swap3A_41 = vector.load %arg6[%swap3A_36, %swap3A_37, %swap3A_38, %swap3A_39, %swap3A_40] : memref<1x32x8x4x1024xf32, #tpu.memory_space<vmem>>, vector<1x32x8x4x256xf32>
    tpu.vector_store %arg6[%swap3A_36, %swap3A_37, %swap3A_38, %swap3A_39, %swap3A_40], %add3A_35 {strides = array<i32>} : memref<1x32x8x4x1024xf32, #tpu.memory_space<vmem>>, vector<1x32x8x4x256xf32>,
    %slice3A_42 = vector.extract_strided_slice %get3A_4 {offsets = [0, 0, 0, 0, 768], sizes = [1, 32, 8, 4, 256], strides = [1, 1, 1, 1, 1]} : vector<1x32x8x4x1024xf32> to vector<1x32x8x4x256xf32>
    %swap3A_43 = arith.constant 0 : index
    %swap3A_44 = arith.constant 0 : index
    %swap3A_45 = arith.constant 0 : index
    %swap3A_46 = arith.constant 0 : index
    %swap3A_47 = arith.constant 768 : index
    %swap3A_48 = vector.load %arg6[%swap3A_43, %swap3A_44, %swap3A_45, %swap3A_46, %swap3A_47] : memref<1x32x8x4x1024xf32, #tpu.memory_space<vmem>>, vector<1x32x8x4x256xf32>
    tpu.vector_store %arg6[%swap3A_43, %swap3A_44, %swap3A_45, %swap3A_46, %swap3A_47], %slice3A_42 {strides = array<i32>} : memref<1x32x8x4x1024xf32, #tpu.memory_space<vmem>>, vector<1x32x8x4x256xf32>,
    return
  }
  func.func @transform_0(%arg0: i32, %arg1: i32) -> (i32, i32, i32, i32, i32) {
    %c0_i32 = arith.constant 0 : i32
    %c0_i32_0 = arith.constant 0 : i32
    %c0_i32_1 = arith.constant 0 : i32
    %c0_i32_2 = arith.constant 0 : i32
    return %arg0, %arg1, %c0_i32, %c0_i32_0, %c0_i32_1 : i32, i32, i32, i32, i32
  }
  func.func @transform_1(%arg0: i32, %arg1: i32) -> (i32, i32) {
    %c0_i32 = arith.constant 0 : i32
    %c0_i32_0 = arith.constant 0 : i32
    %c0_i32_1 = arith.constant 0 : i32
    return %c0_i32, %c0_i32_0 : i32, i32
  }
  func.func @transform_2(%arg0: i32, %arg1: i32) -> (i32, i32) {
    %c0_i32 = arith.constant 0 : i32
    %c0_i32_0 = arith.constant 0 : i32
    %c0_i32_1 = arith.constant 0 : i32
    return %c0_i32, %c0_i32_0 : i32, i32
  }
  func.func @transform_3(%arg0: i32, %arg1: i32) -> (i32, i32, i32) {
    %c0_i32 = arith.constant 0 : i32
    %c0_i32_0 = arith.constant 0 : i32
    %c0_i32_1 = arith.constant 0 : i32
    return %arg0, %c0_i32, %c0_i32_0 : i32, i32, i32
  }
  func.func @transform_4(%arg0: i32, %arg1: i32) -> (i32, i32, i32, i32, i32) {
    %c0_i32 = arith.constant 0 : i32
    %c0_i32_0 = arith.constant 0 : i32
    %c0_i32_1 = arith.constant 0 : i32
    %c0_i32_2 = arith.constant 0 : i32
    return %arg0, %arg1, %c0_i32, %c0_i32_0, %c0_i32_1 : i32, i32, i32, i32, i32
  }
}

</mosaic_0001>

<sc_bundles>
// kernel: kernel.4.cloned.1.call-start
scs
__scs_entry_jumppad:
0x0: {  	(pc) =	sbr.rel $0x88, $3  }
0x1: {  	(tag) =	ssettag $0x0;
	lr =	simm.s32 $0x1  }
0x2: {  	[smem:$0x3F9C] =	sst lr;
	_ =	strace $0xD0000000  }
0x3: {  	_ = 	snop  }
0x4: {  	_ = 	snop  }
0x5: {  	_ = 	snop  }
0x6: {  	_ = 	snop  }
0x7: {  	_ = 	snop  }
__scs_overlays_trampoline_lowered:
0x8: {  	[smem:$0x3FAB] =	sst s0  }
0x9: {  	[smem:$0x3FAC] =	sst s1  }
0xa: {  	[smem:$0x3FAD] =	sst s2  }
0xb: {  	[smem:$0x3FAE] =	sst s3  }
0xc: {  	[smem:$0x3FAF] =	sst s4  }
0xd: {  	[smem:$0x3FB0] =	sst s5  }
0xe: {  	[smem:$0x3FB1] =	sst s6  }
0xf: {  	[smem:$0x3FB2] =	sst s7  }
0x10: {  	[smem:$0x3FB3] =	sst s8  }
0x11: {  	[smem:$0x3FB4] =	sst s9;
	s0 =	simm.s32 @!p0 $0x0  }
0x12: {  	s1 =	sld [smem:$0x3F9A];
	s0 =	simm.s32 @p0 $0x1  }
0x13: {  	[smem:$0x3FB5] =	sst s0;
	s0 =	simm.s32 @!p1 $0x0  }
0x14: {  	s2 =	sld [smem:$0x3F99];
	s0 =	simm.s32 @p1 $0x1  }
0x15: {  	[smem:$0x3FB6] =	sst s0;
	s0 =	simm.s32 @!p2 $0x0  }
0x16: {  	s3 =	sld [smem:$0x3FDB];
	s0 =	simm.s32 @p2 $0x1  }
0x17: {  	s4 =	simm.s32 $0x1BF5;
	[smem:$0x3FB8] =	sst s0  }
0x18: {  	s0 =	sld [smem:$0x3F9B];
	_ =	swait.ge [sflag:s4], $0x0  }
0x19: {  	s7 =	sld [smem:$0x3F9C]  }
0x1a: {  	s8 =	sadd.s32 $0xFFFFE003, lr  }
0x1b: {  	s9 =	sadd.s32 $0xFFFFFEF7, lr;
	s5 =	simm.s32 $0xFFFFFFFF;
	p2 =	slt.u32 s8, $0xFFFFF086  }
0x1c: {  	p1 =	slt.u32 s9, $0xF7A;
	s5 =	simm.s32 @!p2 $0x0  }
0x1d: {  	s5 =	simm.s32 @p1 $0x1;
	p0 =	seq.s32 s7, s2  }
0x1e: {  	s7 =	smul.u32 @!p0 $0xF7A, s2;
	p2 =	seq.s32 @!p0 s5, $0x0  }
0x1f: {  	s9 =	smul.u32 $0xF7A, s1;
	s8 =	simm.s32 @!p0 $0x1BF5;
	p2 =	por !p2, p0  }
0x20: {  	[sflag:s8] =	ssyncset.s32 @!p0 $0xFFFFF086;
	s6 =	sadd.s32 @!p0 s3, s7;
	s7 =	simm.s32 @!p0 $0x108  }
0x21: {  	s3 =	sadd.s32 s3, s9;
	s6 =	sadd.s32 @!p0 $0x88, s6;
	s7 =	simm.s32 @p2 $0x1082  }
0x22: {  	[simem:s7], [sflag:s8] =	dma.local @!p0 [hbm:s6], $0xF7A  }
0x23: {  	s9 =	sor.u32 $0xD0000000, s2;
	s6 =	simm.s32 $0x108;
	_ =	swait.ge @!p0 [sflag:s8], $0x0  }
0x24: {  	s3 =	sadd.s32 $0x88, s3;
	s6 =	simm.s32 @!p1 $0x1082;
	[sflag:s4] =	ssyncset.s32 $0xFFFFF086  }
0x25: {  	[simem:s6], [sflag:s4] =	dma.local [hbm:s3], $0xF7A  }
0x26: {  	[smem:$0x3F9C] =	sst s1;
	(tag) =	ssettag s2;
	_ =	strace s9  }
0x27: {  	s1 =	sld [smem:$0x3FAC]  }
0x28: {  	s2 =	sld [smem:$0x3FAD]  }
0x29: {  	s4 =	sld [smem:$0x3FAF]  }
0x2a: {  	p0 =	seq.s32 s5, $0x0;
	s5 =	sld [smem:$0x3FB0]  }
0x2b: {  	s6 =	sld [smem:$0x3FB1]  }
0x2c: {  	s7 =	sld [smem:$0x3FB2]  }
0x2d: {  	s3 =	simm.s32 $0x108;
	s8 =	sld [smem:$0x3FB3]  }
0x2e: {  	s3 =	simm.s32 @!p0 $0x1082;
	s9 =	sld [smem:$0x3FB4]  }
0x2f: {  	lr =	sadd.s32 s0, s3;
	s0 =	sld [smem:$0x3FAB]  }
0x30: {  	s3 =	sld [smem:$0x3FAE]  }
0x31: {  	[smem:$0x3FB7] =	sst s10  }
0x32: {  	s10 =	sld [smem:$0x3FB5];
	_ =	sdelay $0x3  }
0x33: {  	p0 =	seq.s32 s10, $0x1;
	s10 =	sld [smem:$0x3FB7];
	_ =	sdelay $0x3  }
0x34: {  	[smem:$0x3FB7] =	sst s10  }
0x35: {  	s10 =	sld [smem:$0x3FB6];
	_ =	sdelay $0x3  }
0x36: {  	p1 =	seq.s32 s10, $0x1;
	s10 =	sld [smem:$0x3FB7];
	_ =	sdelay $0x3  }
0x37: {  	[smem:$0x3FB7] =	sst s10  }
0x38: {  	s10 =	sld [smem:$0x3FB8]  }
0x39: {  	_ = 	snop;
	(pc) =	sbr.ind lr, $3  }
0x3a: {  	_ = 	snop  }
0x3b: {  	_ = 	snop  }
0x3c: {  	p2 =	seq.s32 s10, $0x1;
	s10 =	sld [smem:$0x3FB7]  }
0x3d: {  	_ =	shalt  }
0x3e: {  	_ =	shalt  }
0x3f: {  	_ =	shalt  }
0x40: {  	_ =	shalt  }
0x41: {  	_ =	shalt  }
0x42: {  	_ =	shalt  }
0x43: {  	_ =	shalt  }
0x44: {  	_ =	shalt  }
0x45: {  	_ =	shalt  }
0x46: {  	_ =	shalt  }
0x47: {  	_ =	shalt  }
0x48: {  	_ =	shalt  }
0x49: {  	_ =	shalt  }
0x4a: {  	_ =	shalt  }
0x4b: {  	_ =	shalt  }
0x4c: {  	_ =	shalt  }
0x4d: {  	_ =	shalt  }
0x4e: {  	_ =	shalt  }
0x4f: {  	_ =	shalt  }
0x50: {  	_ =	shalt  }
0x51: {  	_ =	shalt  }
0x52: {  	_ =	shalt  }
0x53: {  	_ =	shalt  }
0x54: {  	_ =	shalt  }
0x55: {  	_ =	shalt  }
0x56: {  	_ =	shalt  }
0x57: {  	_ =	shalt  }
0x58: {  	_ =	shalt  }
0x59: {  	_ =	shalt  }
0x5a: {  	_ =	shalt  }
0x5b: {  	_ =	shalt  }
0x5c: {  	_ =	shalt  }
0x5d: {  	_ =	shalt  }
0x5e: {  	_ =	shalt  }
0x5f: {  	_ =	shalt  }
0x60: {  	_ =	shalt  }
0x61: {  	_ =	shalt  }
0x62: {  	_ =	shalt  }
0x63: {  	_ =	shalt  }
0x64: {  	_ =	shalt  }
0x65: {  	_ =	shalt  }
0x66: {  	_ =	shalt  }
0x67: {  	_ =	shalt  }
0x68: {  	_ =	shalt  }
0x69: {  	_ =	shalt  }
0x6a: {  	_ =	shalt  }
0x6b: {  	_ =	shalt  }
0x6c: {  	_ =	shalt  }
0x6d: {  	_ =	shalt  }
0x6e: {  	_ =	shalt  }
0x6f: {  	_ =	shalt  }
0x70: {  	_ =	shalt  }
0x71: {  	_ =	shalt  }
0x72: {  	_ =	shalt  }
0x73: {  	_ =	shalt  }
0x74: {  	_ =	shalt  }
0x75: {  	_ =	shalt  }
0x76: {  	_ =	shalt  }
0x77: {  	_ =	shalt  }
0x78: {  	_ =	shalt  }
0x79: {  	_ =	shalt  }
0x7a: {  	_ =	shalt  }
0x7b: {  	_ =	shalt  }
0x7c: {  	_ =	shalt  }
0x7d: {  	_ =	shalt  }
0x7e: {  	_ =	shalt  }
0x7f: {  	_ =	shalt  }
0x80: {  	_ =	shalt  }
0x81: {  	_ =	shalt  }
0x82: {  	_ =	shalt  }
0x83: {  	_ =	shalt  }
0x84: {  	_ =	shalt  }
0x85: {  	_ =	shalt  }
0x86: {  	_ =	shalt  }
0x87: {  	_ =	shalt  }
.Lfunc_end0:
.L_simem_size_0:
called_computation_lowered:
.L_overlay_start_0:
0x88: {  	s2 =	sld [smem:$0x3FD9]  }
0x89: {  	s3 =	sld [smem:$0x3FFE];
	_ =	sdelay $0x1  }
0x8a: {  	s1 =	srdreg.scid  }
0x8b: {  	s0 =	sand.u32 $0x1, s1  }
0x8c: {  	s17 =	sshll.u32 s0, $0xA;
	s2 =	sadd.s32 s3, s2  }
0x8d: {  	s2 =	sadd.s32 s2, s17  }
0x8e: {  	[smem:$0x3FC3] =	sst s2  }
0x8f: {  	_ = 	snop  }
0x90: {  	s2 =	sld [smem:$0x3FC5]  }
0x91: {  	s18 =	sld [smem:$0x3FD0];
	(tm) =	ssettm $0x1  }
0x92: {  	s4 =	sld [smem:$0x3FFB];
	_ =	sdelay $0x3  }
0x93: {  	_ =	strace s4  }
0x94: {  	s4 =	sld [smem:$0x3FFC];
	_ =	sdelay $0x3  }
0x95: {  	_ =	strace s4  }
0x96: {  	s4 =	sld [smem:$0x3FFD];
	_ =	sdelay $0x3  }
0x97: {  	_ =	strace s4  }
0x98: {  	_ =	strace $0x8FFFFFFF  }
0x99: {  	s19 =	sld [smem:$0x3FDB];
	_ =	sdelay $0x1  }
0x9a: {  	s5 =	simm.s32 $_scs_section_size  }
0x9b: {  	s6 =	simm.s32 $_size__tile_overlayer_lowered;
	s7 =	simm.s32 $_tile_overlayer_lowered  }
0x9c: {  	s22 =	simm.s32 $0x1BFF;
	s21 =	sshll.u32 s7, $0x1;
	s4 =	sadd.s32 s5, s19  }
0x9d: {  	s8 =	simm.s32 $0x0;
	s20 =	sshll.u32 s6, $0x1;
	s6 =	sadd.s32 s21, s4  }
0x9e: {  	[timem:s8], [sflag:s22] =	dma.local [hbm:s6], s20  }
0x9f: {  	_ =	swait.ge [sflag:s22], s20  }
0xa0: {  	s5 =	ssub.s32 $0x0, s20;
	[sflag:s22] =	ssyncset.done $0x0  }
0xa1: {  	[sflag:s22] =	ssyncadd.s32 s5;
	_ =	sdelay $0x1  }
0xa2: {  	s23 =	simm.s32 $0x1B8B  }
0xa3: {  	_ =	swait.ge [sflag:s23], $0x1  }
0xa4: {  	[sflag:s23] =	ssyncset.done $0x0  }
0xa5: {  	s25 =	simm.s32 $0x1B8E;
	s24 =	sld [smem:$0x3FFE];
	[sflag:s23] =	ssyncadd.s32 $0xFFFFFFFF  }
0xa6: {  	s26 =	simm.s32 $execute0_lowered;
	[smem:$0x3FD2] =	sst s25  }
0xa7: {  	s6 =	sshll.u32 s26, $0x1;
	_ =	strace $0x80000046;
	[dreg:$0x1] =	wrdreg $0xFFFFFFFF  }
0xa8: {  	s28 =	simm.s32 $_size_execute0_lowered;
	s4 =	sadd.s32 s4, s6;
	[dreg:$0x0] =	wrdreg $0x0  }
0xa9: {  	s6 =	sshll.u32 s28, $0x1;
	[dreg:$0x2] =	wrdreg s4  }
0xaa: {  	[dreg:$0x3] =	wrdreg s6  }
0xab: {  	[dreg:$0x4] =	wrdreg $0xC0  }
0xac: {  	_ =	task [dreg:s8], $0x5FFFF  }
0xad: {  	[dreg:$0x1] =	wrdreg $0xFFFFFFFF  }
0xae: {  	[dreg:$0x0] =	wrdreg $0x60  }
0xaf: {  	[dreg:$0x2] =	wrdreg s24  }
0xb0: {  	[dreg:$0x3] =	wrdreg s2  }
0xb1: {  	[dreg:$0x4] =	wrdreg s18  }
0xb2: {  	[dreg:$0x5] =	wrdreg $0x9  }
0xb3: {  	_ =	task.clear_ibuf [dreg:s8], $0x6FFFF;
	_ =	strace $0x90000046  }
0xb4: {  	s29 =	simm.s32 $0x9;
	_ =	strace $0x80000048  }
0xb5: {  	_ =	swait.ge [sflag:s29], $0x1  }
0xb6: {  	[sflag:s29] =	ssyncadd.s32 $0xFFFFFFFF  }
0xb7: {  	_ =	strace $0x90000048  }
0xb8: {  	_ =	sfence  }
0xb9: {  	s30 =	sld [smem:$0x0];
	_ =	sdelay $0x2  }
0xba: {  	s31 =	sshll.u32 s1, $0xD;
	s1 =	sshrl.u32 s1, $0x2  }
0xbb: {  	s3 =	sand.u32 $0x4000, s31;
	s1 =	sadd.s32 s1, s30  }
0xbc: {  	s0 =	sor.u32 s3, s0;
	s1 =	sshll.u32 s1, $0x11  }
0xbd: {  	s0 =	sor.u32 s1, s0  }
0xbe: {  	s0 =	sadd.s32 $0x8F2B, s0  }
0xbf: {  	[sflag:s0] =	ssyncadd.remote.s32 $0x1  }
0xc0: {  	_ =	sfence.sel $0xFFFF  }
0xc1: {  	[dreg:$0x0] =	wrdreg $0xFFFFFFFF;
	(pc) =	sbr.abs _section_cstart, $3  }
0xc2: {  	[dreg:$0x1] =	wrdreg $0xFFFFFFFF  }
0xc3: {  	_ =	task.clear_ibuf [dreg:s8], $0x2FFFF;
	_ =	strace $0x9FFFFFFF  }
0xc4: {  	(tm) =	ssettm $0x7FFFFFFF  }
0xc5: {  	_ =	shalt  }
tec
execute0_lowered:
.L_overlay_start_1:
0x0: {  	(tag) =	ssettag $0x1  }
0x1: {  	s4 =	stileid.u32  }
0x2: {  	p0 =	sne.s32 s4, $0x0  }
.Ltmp0:
0x3: {  	s3 =	rddreg [dreg:$0x0];
	(pc) =	sbr.rel @p0 .LBB2_4-.Ltmp0, $4  }
0x4: {  	s1 =	rddreg [dreg:$0x1]  }
0x5: {  	s7 =	rddreg [dreg:$0x2];
	s2 =	simm.s32 $0x0  }
0x6: {  	[smem:$0x7FF] =	sst s2  }
0x7: {  	s0 =	rddreg [dreg:$0x3];
	_ =	strace $0x80000047  }
0x8: {  	s4 =	srdreg.scid  }
0x9: {  	s8 =	sand.u32 $0x1, s4  }
0xa: {  	s3 =	sadd.s32 $0x800, s3;
	s4 =	sshll.u32 s8, $0x4  }
0xb: {  	s4 =	sadd.s32 s3, s4;
	s3 =	simm.s32 $0x2  }
0xc: {  	[tilespmem:s2], [sflag:$0x2] =	stream.linear.gather [hbm4b:s4+s2], $0x80, $0x38;
	[tilespmem:$0x880] =	vst v63  }
0xd: {  	_ =	swait.ge [sflag:s3], $0x80  }
0xe: {  	[sflag:s3] =	ssyncset.done $0x0  }
0xf: {  	[sflag:s3] =	ssyncadd.s32 $0xFFFFFF80  }
0x10: {  	v0 =	vld.msk [tilespmem:$0x0], $0xff;
	_ =	sdelay $0x4  }
0x11: {  	v1 =	vshll.u32 v0, $0x1  }
0x12: {  	v2 =	vlaneseq.u32;
	v3 =	vand.u32 $0x7, v0;
	v1 =	vand.u32 $0xFFFFFFF0, v1  }
0x13: {  	v0 =	vand.u32 $0x7, v2;
	v2 =	vshrl.u32 v2, $0x3;
	v3 =	vor.u32 v3, v1  }
0x14: {  	v1 =	vmul.u32 $0x8, v2;
	v2 =	vperm.xlane v3, v0;
	_ =	sdelay $0x1  }
0x15: {  	v2 =	vadd.s32 v1, v2  }
0x16: {  	s9 =	ssub.s32 $0x2, s8  }
0x17: {  	s10 =	sshrl.u32 s9, $0x1  }
0x18: {  	s9 =	ssub.s32 s9, s10  }
0x19: {  	vm0 =	vmmov $0xffff;
	s5 =	simm.s32 $0x80;
	s6 =	simm.s32 $0x1;
	s31 =	smax.u32 s9, $0x1  }
0x1a: {  	[tilespmem:s5], [sflag:$0x1] =	stream.indirect_vreg.gather [hbm4b:s1+s2], $0x80, v2, vm0, $0xb8;
	[tilespmem:$0x880] =	vst v63  }
0x1b: {  	p1 =	sne.s32 s31, $0x1;
	_ =	swait.ge [sflag:s6], $0x800  }
.Ltmp1:
0x1c: {  	s8 =	sshll.u32 s8, $0x8;
	[sflag:s6] =	ssyncset.done $0x0;
	(pc) =	sbr.rel @!p1 .LBB2_3-.Ltmp1, $4  }
0x1d: {  	s7 =	sadd.s32 s7, s8;
	[sflag:s6] =	ssyncadd.s32 $0xFFFFF800  }
0x1e: {  	[hbm4b:s7+s2] =	stream.linear.scatter [tilespmem:s5], [sflag:$0x2], $0x800, $0x38;
	[tilespmem:$0x880] =	vst v63  }
0x1f: {  	_ =	swait.ge [sflag:s3], $0x800  }
0x20: {  	s8 =	sadd.s32 $0xFFFFFFFF, s31;
	[sflag:s3] =	ssyncset.done $0x0  }
.LBB2_2:
0x21: {  	p1 =	sne.s32 s8, $0x1;
	s8 =	sadd.s32 $0xFFFFFFFF, s8;
	[sflag:s3] =	ssyncadd.s32 $0xFFFFF800  }
0x22: {  	[tilespmem:s2], [sflag:$0x2] =	stream.linear.gather [hbm4b:s4+s2], $0x80, $0x38;
	[tilespmem:$0x880] =	vst v63  }
0x23: {  	_ =	swait.ge [sflag:s3], $0x80  }
0x24: {  	[sflag:s3] =	ssyncset.done $0x0  }
0x25: {  	[sflag:s3] =	ssyncadd.s32 $0xFFFFFF80  }
0x26: {  	v2 =	vld.msk [tilespmem:$0x0], $0xff;
	_ =	sdelay $0x4  }
0x27: {  	v3 =	vshll.u32 v2, $0x1  }
0x28: {  	v2 =	vand.u32 $0x7, v2;
	v3 =	vand.u32 $0xFFFFFFF0, v3  }
0x29: {  	v2 =	vor.u32 v2, v3  }
0x2a: {  	v2 =	vperm.xlane v2, v0;
	_ =	sdelay $0x1  }
0x2b: {  	v2 =	vadd.s32 v1, v2;
	_ =	sdelay $0x4  }
0x2c: {  	[tilespmem:s5], [sflag:$0x1] =	stream.indirect_vreg.gather [hbm4b:s1+s2], $0x80, v2, vm0, $0xb8;
	[tilespmem:$0x880] =	vst v63  }
0x2d: {  	_ =	swait.ge [sflag:s6], $0x800  }
.Ltmp2:
0x2e: {  	[sflag:s6] =	ssyncset.done $0x0;
	(pc) =	sbr.rel @p1 .LBB2_2-.Ltmp2, $4  }
0x2f: {  	[sflag:s6] =	ssyncadd.s32 $0xFFFFF800  }
0x30: {  	[hbm4b:s7+s2] =	stream.linear.scatter [tilespmem:s5], [sflag:$0x2], $0x800, $0x38;
	[tilespmem:$0x880] =	vst v63  }
0x31: {  	_ =	swait.ge [sflag:s3], $0x800  }
0x32: {  	[sflag:s3] =	ssyncset.done $0x0  }
.LBB2_3:
0x33: {  	[sflag:s3] =	ssyncadd.s32 $0xFFFFF800  }
.LBB2_4:
0x34: {  	_ =	sfence.sel $0x180000  }
0x35: {  	[bflag:$0x0] =	sbarrier.arrive $0xFFFF  }
0x36: {  	_ =	strace $0x90000047  }
0x37: {  	s0 =	sadd.s32 @!p0 $0x100000, s0;
	[bflag:$0x2] =	sbarrier.arrive $0xFFFF  }
0x38: {  	[sflag:s0] =	ssyncadd.tile.s32 @!p0 $0x1;
	_ =	shalt  }
.Lfunc_end2:
_tile_overlayer_lowered:
.L_overlay_start_2:
0x39: {  	(tag) =	ssettag $0x2  }
0x3a: {  	s0 =	rddreg [dreg:$0x0];
	s2 =	stileid.u32  }
0x3b: {  	s1 =	rddreg [dreg:$0x1];
	p0 =	sne.s32 s2, $0x0  }
0x3c: {  	s3 =	rddreg [dreg:$0x2];
	[bflag:$0x3] =	sbarrier.arrive $0xFFFF;
	s2 =	simm.s32 @!p0 $0x1C02  }
0x3d: {  	[timem:s3], [sflag:s2] =	dma.local @!p0 [hbm:s0], s1  }
0x3e: {  	s0 =	simm.s32 @!p0 $0x2  }
0x3f: {  	_ =	swait.ge @!p0 [sflag:s0], s1  }
0x40: {  	s1 =	ssub.s32 @!p0 $0x0, s1;
	[sflag:s0] =	ssyncset.done @!p0 $0x0  }
0x41: {  	[sflag:s0] =	ssyncadd.s32 @!p0 s1  }
0x42: {  	[bflag:$0x3] =	sbarrier.arrive $0xFFFF  }
0x43: {  	_ =	shalt  }

</sc_bundles>
